<compile_context>
chip_gen: v7x
topology: tpu7x:2x2x1
jax: 0.10.2.dev20260603
libtpu: 0.0.44.dev20260713+nightly
codegen_flags: <defaults>
</compile_context>

<pallas_src>
import functools

import jax
import jax.numpy as jnp
from jax import lax
from jax.experimental import pallas as pl
from jax.experimental.pallas import tpu as pltpu
from jax.experimental.pallas import tpu_sc as plsc

N_NODES = 10000
K_NBRS = 32
D = 128
L = 16
DW = D // 2
NW = 32
NPT = 320
CHUNK = 4
ROWS = CHUNK * K_NBRS
NCHUNK = NPT // CHUNK
NBUF = 2


def _sc_gather_sum(y_pack, nidx_flat):
    mesh = plsc.VectorSubcoreMesh(core_axis_name="c", subcore_axis_name="s")

    @functools.partial(
        pl.kernel,
        out_type=jax.ShapeDtypeStruct((N_NODES, D), jnp.float32),
        mesh=mesh,
        compiler_params=pltpu.CompilerParams(use_tc_tiling_on_sc=False),
        scratch_types=[
            pltpu.VMEM((NPT * K_NBRS,), jnp.int32),
            pltpu.VMEM((NBUF, ROWS, DW), jnp.int32),
            pltpu.VMEM((NPT, D), jnp.float32),
            pltpu.VMEM_SHARED((N_NODES, DW), jnp.int32),
            pltpu.SemaphoreType.DMA((NBUF,)),
        ],
    )
    def body(y_hbm, nidx_hbm, out_hbm, idx_v, gbuf, obuf, yspm, sem):
        sid = lax.axis_index("s")
        wid = lax.axis_index("c") * 16 + sid
        node_base = jnp.minimum(wid * NPT, N_NODES - NPT)

        rows_a = 624
        @pl.when(sid < 15)
        def _():
            pltpu.sync_copy(
                y_hbm.at[pl.ds(sid * rows_a, rows_a)],
                yspm.at[pl.ds(sid * rows_a, rows_a)],
            )
        @pl.when(sid == 15)
        def _():
            pltpu.sync_copy(
                y_hbm.at[pl.ds(15 * rows_a, N_NODES - 15 * rows_a)],
                yspm.at[pl.ds(15 * rows_a, N_NODES - 15 * rows_a)],
            )
        pltpu.sync_copy(
            nidx_hbm.at[pl.ds(node_base * K_NBRS, NPT * K_NBRS)], idx_v
        )
        plsc.subcore_barrier()

        def gather(g, p):
            return pltpu.make_async_copy(
                yspm.at[idx_v.at[pl.ds(g * ROWS, ROWS)]], gbuf.at[p], sem.at[p]
            )

        for i in range(NBUF):
            gather(i, i).start()

        def chunk_body(g, carry):
            p = lax.rem(g, NBUF)
            gather(g, p).wait()
            for n in range(0):
                def red(r, accs):
                    row = n * K_NBRS + r
                    new = list(accs)
                    for grp in range(DW // L):
                        w = gbuf[p, row, pl.ds(grp * L, L)]
                        a = lax.bitcast_convert_type(
                            lax.shift_left(w, jnp.full((L,), 16, jnp.int32)),
                            jnp.float32,
                        )
                        b = lax.bitcast_convert_type(
                            lax.bitwise_and(w, jnp.full((L,), -65536, jnp.int32)),
                            jnp.float32,
                        )
                        new[2 * grp] = new[2 * grp] + a
                        new[2 * grp + 1] = new[2 * grp + 1] + b
                    return tuple(new)
                accs = lax.fori_loop(
                    0, K_NBRS, red,
                    tuple(jnp.zeros((L,), jnp.float32) for _ in range(D // L)),
                )
                for j in range(D // L):
                    obuf[g * CHUNK + n, pl.ds(j * L, L)] = accs[j]

            @pl.when(g + NBUF < NCHUNK)
            def _():
                gather(g + NBUF, p).start()

            return carry

        lax.fori_loop(0, NCHUNK, chunk_body, 0)
        pltpu.sync_copy(obuf, out_hbm.at[pl.ds(node_base, NPT)])

    return body(y_pack, nidx_flat)


def _tc_self(y, w_bot, b2d):
    blk = 2000
    grid = (N_NODES // blk,)

    def body(y_ref, wb_ref, b_ref, o_ref):
        o_ref[...] = float(K_NBRS) * jnp.dot(
            y_ref[...], wb_ref[...], preferred_element_type=jnp.float32
        ) + float(K_NBRS) * b_ref[...]

    return pl.pallas_call(
        body,
        grid=grid,
        in_specs=[
            pl.BlockSpec((blk, D), lambda i: (i, 0)),
            pl.BlockSpec((D, D), lambda i: (0, 0)),
            pl.BlockSpec((1, D), lambda i: (0, 0)),
        ],
        out_specs=pl.BlockSpec((blk, D), lambda i: (i, 0)),
        out_shape=jax.ShapeDtypeStruct((N_NODES, D), jnp.float32),
    )(y, w_bot, b2d)


def _tc_final(g, s, w_top):
    blk = 2000
    grid = (N_NODES // blk,)

    def body(g_ref, s_ref, wt_ref, o_ref):
        o_ref[...] = jnp.dot(
            g_ref[...], wt_ref[...], preferred_element_type=jnp.float32
        ) + s_ref[...]

    return pl.pallas_call(
        body,
        grid=grid,
        in_specs=[
            pl.BlockSpec((blk, D), lambda i: (i, 0)),
            pl.BlockSpec((blk, D), lambda i: (i, 0)),
            pl.BlockSpec((D, D), lambda i: (0, 0)),
        ],
        out_specs=pl.BlockSpec((blk, D), lambda i: (i, 0)),
        out_shape=jax.ShapeDtypeStruct((N_NODES, D), jnp.float32),
    )(g, s, w_top)


def kernel(y, neighbors_index, neighbors_row_splits, W, b):
    nidx_flat = neighbors_index.reshape(-1)
    y_bf = y.astype(jnp.bfloat16)
    y_grp = y_bf.reshape(N_NODES, D // 32, 2, L)
    y_pair = jnp.stack([y_grp[:, :, 0, :], y_grp[:, :, 1, :]], axis=-1)
    y_pack = jax.lax.bitcast_convert_type(y_pair, jnp.int32).reshape(N_NODES, DW)
    g = _sc_gather_sum(y_pack, nidx_flat)
    s = _tc_self(y, W[D:], b.reshape(1, D))
    return _tc_final(g, s, W[:D])

# --- scband reference (transcript-rebuilt; emitter-appended) ---
"""Pipeline reference for scband-integral-transform-51616916963788 (READ-ONLY COPY).

The authoritative reference and input builder live on the scoring server;
editing this copy changes nothing except your own understanding.
"""

import jax, jax.numpy as jnp
import numpy as np

N_NODES = 10000
K_NBRS = 32
D_FEAT = 128


def setup_inputs(seed: int = 0) -> dict:
    key = jax.random.key(seed)
    k1, k2, k3 = jax.random.split(key, 3)
    y = jax.random.normal(k1, (N_NODES, D_FEAT), dtype=jnp.float32)
    neighbors_index = jax.random.randint(k2, (N_NODES, K_NBRS), 0, N_NODES, dtype=jnp.int32)
    neighbors_row_splits = jnp.arange(N_NODES + 1, dtype=jnp.int32) * K_NBRS
    W = jax.random.normal(k3, (2 * D_FEAT, D_FEAT), dtype=jnp.float32) * (1.0 / np.sqrt(2 * D_FEAT))
    b = jnp.zeros((D_FEAT,), dtype=jnp.float32)
    return {
        "y": y,
        "neighbors_index": neighbors_index,
        "neighbors_row_splits": neighbors_row_splits,
        "W": W,
        "b": b,
    }


def reference(y, neighbors_index, neighbors_row_splits, W, b):
    # IntegralTransform, transform_type='linear', no f_y / mask / weights, reduction='sum'.
    idx = neighbors_index                      # [N, K]
    K = idx.shape[-1]
    num_segments = neighbors_row_splits.shape[0] - 1
    # gather neighbor features: y[idx] -> [N, K, d] -> [N*K, d]
    rep_features = y[idx].reshape(-1, y.shape[-1])
    # repeat self features per neighbor: [N*K, d]
    self_features = jnp.repeat(y, K, axis=0)
    agg = jnp.concatenate([rep_features, self_features], axis=-1)   # [N*K, 2d]
    # channel MLP: layers=[256, 128] -> single linear layer (no activation between)
    rep = agg @ W + b                                              # [N*K, d_out]
    # segment_csr with fixed-size neighborhoods: row_ids = repeat(arange(N), K)
    row_ids = jnp.repeat(jnp.arange(num_segments), K)
    out = jax.ops.segment_sum(rep, row_ids, num_segments)          # [N, d_out]
    return out

if __name__ == "__main__":
    import jax
    _d = setup_inputs()
    print(jax.jit(kernel)(*tuple(_d.values())))

</pallas_src>

<mosaic_0001>
#map = affine_map<(d0, d1) -> (0, 0)>
#map1 = affine_map<(d0, d1) -> (0)>
module attributes {stable_mosaic.version = 14 : i64} {
  func.func @body(%arg0: i32, %arg1: i32, %arg2: memref<10000x64xi32, #tpu.memory_space<hbm>>, %arg3: memref<320000xi32, #tpu.memory_space<hbm>>, %arg4: memref<10000x128xf32, #tpu.memory_space<hbm>>, %arg5: memref<10240xi32, #tpu.memory_space<vmem>>, %arg6: memref<2x128x64xi32, #tpu.memory_space<vmem>>, %arg7: memref<320x128xf32, #tpu.memory_space<vmem>>, %arg8: memref<10000x64xi32, #tpu.memory_space<vmem_shared>>, %arg9: memref<2x!tpu.dma_semaphore, #tpu.memory_space<semaphore_mem>>) attributes {dimension_semantics = [#tpu.dimension_semantics<core_parallel>, #tpu.dimension_semantics<subcore_parallel>], iteration_bounds = array<i64: 2, 16>, scalar_prefetch = 0 : i64, scratch_operands = 5 : i64, tpu.core_type = #tpu.core_type<sc_vector_subcore>, window_params = [{transform_indices = #map}, {transform_indices = #map1}, {transform_indices = #map}]} {
    %mul3A = arith.constant 16 : i32
    %mul3A_0 = arith.muli %arg0, %mul3A : i32
    %add3A = arith.addi %mul3A_0, %arg1 : i32
    %mul3A_1 = arith.constant 320 : i32
    %mul3A_2 = arith.muli %add3A, %mul3A_1 : i32
    %min3A = arith.constant 9680 : i32
    %min3A_3 = arith.minsi %mul3A_2, %min3A : i32
    %lt3A = arith.constant 15 : i32
    %lt3A_4 = arith.cmpi slt, %arg1, %lt3A : i32
    %convert_element_type3A = arith.extui %lt3A_4 : i1 to i32
    %cond3A = arith.constant 0 : i32
    %cond3A_5 = arith.cmpi ne, %convert_element_type3A, %cond3A : i32
    scf.if %cond3A_5 {
      %mul3A_42 = arith.constant 624 : i32
      %mul3A_43 = arith.muli %arg1, %mul3A_42 : i32
      %mul3A_44 = arith.constant 624 : i32
      %mul3A_45 = arith.muli %arg1, %mul3A_44 : i32
      "tpu.region"() ({
        %run_scoped3A = tpu.sem_alloc : memref<!tpu.dma_semaphore, #tpu.memory_space<semaphore_mem>>
        %dma_start3A_46 = arith.constant 0 : i32
        %dma_start3A_47 = tpu.memref_slice %arg8[%mul3A_45, %dma_start3A_46] : memref<10000x64xi32, #tpu.memory_space<vmem_shared>> -> memref<624x64xi32, #tpu.memory_space<vmem_shared>>
        %dma_start3A_48 = arith.constant 0 : i32
        %dma_start3A_49 = tpu.memref_slice %arg2[%mul3A_43, %dma_start3A_48] : memref<10000x64xi32, #tpu.memory_space<hbm>> -> memref<624x64xi32, #tpu.memory_space<hbm>>
        tpu.enqueue_dma source(%dma_start3A_49 : memref<624x64xi32, #tpu.memory_space<hbm>>) target(%dma_start3A_47 : memref<624x64xi32, #tpu.memory_space<vmem_shared>>) target_semaphore(%run_scoped3A : memref<!tpu.dma_semaphore, #tpu.memory_space<semaphore_mem>>)
        %dma_wait3A = arith.constant 0 : i32
        %dma_wait3A_50 = tpu.memref_slice %arg8[%mul3A_45, %dma_wait3A] : memref<10000x64xi32, #tpu.memory_space<vmem_shared>> -> memref<624x64xi32, #tpu.memory_space<vmem_shared>>
        %dma_wait3A_51 = arith.constant 0 : i32
        %dma_wait3A_52 = tpu.memref_slice %arg2[%mul3A_43, %dma_wait3A_51] : memref<10000x64xi32, #tpu.memory_space<hbm>> -> memref<624x64xi32, #tpu.memory_space<hbm>>
        tpu.wait_dma2 semaphore(%run_scoped3A : memref<!tpu.dma_semaphore, #tpu.memory_space<semaphore_mem>>) src(%dma_wait3A_52 : memref<624x64xi32, #tpu.memory_space<hbm>>) dst(%dma_wait3A_50 : memref<624x64xi32, #tpu.memory_space<vmem_shared>>)
        tpu.yield
      }) : () -> ()
    } else {
    }
    %eq3A = arith.constant 15 : i32
    %eq3A_6 = arith.cmpi eq, %arg1, %eq3A : i32
    %convert_element_type3A_7 = arith.extui %eq3A_6 : i1 to i32
    %cond3A_8 = arith.constant 0 : i32
    %cond3A_9 = arith.cmpi ne, %convert_element_type3A_7, %cond3A_8 : i32
    scf.if %cond3A_9 {
      "tpu.region"() ({
        %run_scoped3A = tpu.sem_alloc : memref<!tpu.dma_semaphore, #tpu.memory_space<semaphore_mem>>
        %dma_start3A_42 = arith.constant 9360 : i32
        %dma_start3A_43 = arith.constant 0 : i32
        %dma_start3A_44 = tpu.memref_slice %arg8[%dma_start3A_42, %dma_start3A_43] : memref<10000x64xi32, #tpu.memory_space<vmem_shared>> -> memref<640x64xi32, #tpu.memory_space<vmem_shared>>
        %dma_start3A_45 = arith.constant 9360 : i32
        %dma_start3A_46 = arith.constant 0 : i32
        %dma_start3A_47 = tpu.memref_slice %arg2[%dma_start3A_45, %dma_start3A_46] : memref<10000x64xi32, #tpu.memory_space<hbm>> -> memref<640x64xi32, #tpu.memory_space<hbm>>
        tpu.enqueue_dma source(%dma_start3A_47 : memref<640x64xi32, #tpu.memory_space<hbm>>) target(%dma_start3A_44 : memref<640x64xi32, #tpu.memory_space<vmem_shared>>) target_semaphore(%run_scoped3A : memref<!tpu.dma_semaphore, #tpu.memory_space<semaphore_mem>>)
        %dma_wait3A = arith.constant 9360 : i32
        %dma_wait3A_48 = arith.constant 0 : i32
        %dma_wait3A_49 = tpu.memref_slice %arg8[%dma_wait3A, %dma_wait3A_48] : memref<10000x64xi32, #tpu.memory_space<vmem_shared>> -> memref<640x64xi32, #tpu.memory_space<vmem_shared>>
        %dma_wait3A_50 = arith.constant 9360 : i32
        %dma_wait3A_51 = arith.constant 0 : i32
        %dma_wait3A_52 = tpu.memref_slice %arg2[%dma_wait3A_50, %dma_wait3A_51] : memref<10000x64xi32, #tpu.memory_space<hbm>> -> memref<640x64xi32, #tpu.memory_space<hbm>>
        tpu.wait_dma2 semaphore(%run_scoped3A : memref<!tpu.dma_semaphore, #tpu.memory_space<semaphore_mem>>) src(%dma_wait3A_52 : memref<640x64xi32, #tpu.memory_space<hbm>>) dst(%dma_wait3A_49 : memref<640x64xi32, #tpu.memory_space<vmem_shared>>)
        tpu.yield
      }) : () -> ()
    } else {
    }
    %mul3A_10 = arith.constant 32 : i32
    %mul3A_11 = arith.muli %min3A_3, %mul3A_10 : i32
    "tpu.region"() ({
      %run_scoped3A = tpu.sem_alloc : memref<!tpu.dma_semaphore, #tpu.memory_space<semaphore_mem>>
      %dma_start3A_42 = tpu.memref_slice %arg3[%mul3A_11] : memref<320000xi32, #tpu.memory_space<hbm>> -> memref<10240xi32, #tpu.memory_space<hbm>>
      %dma_start3A_43 = tpu.memref_slice %arg3[%mul3A_11] : memref<320000xi32, #tpu.memory_space<hbm>> -> memref<10240xi32, #tpu.memory_space<hbm>>
      tpu.enqueue_dma source(%dma_start3A_43 : memref<10240xi32, #tpu.memory_space<hbm>>) target(%arg5 : memref<10240xi32, #tpu.memory_space<vmem>>) target_semaphore(%run_scoped3A : memref<!tpu.dma_semaphore, #tpu.memory_space<semaphore_mem>>)
      %dma_wait3A = tpu.memref_slice %arg3[%mul3A_11] : memref<320000xi32, #tpu.memory_space<hbm>> -> memref<10240xi32, #tpu.memory_space<hbm>>
      %dma_wait3A_44 = tpu.memref_slice %arg3[%mul3A_11] : memref<320000xi32, #tpu.memory_space<hbm>> -> memref<10240xi32, #tpu.memory_space<hbm>>
      tpu.wait_dma2 semaphore(%run_scoped3A : memref<!tpu.dma_semaphore, #tpu.memory_space<semaphore_mem>>) src(%dma_wait3A_44 : memref<10240xi32, #tpu.memory_space<hbm>>) dst(%arg5 : memref<10240xi32, #tpu.memory_space<vmem>>)
      tpu.yield
    }) : () -> ()
    %barrier3A = arith.constant 0 : index
    tpu.barrier barrier_id(%barrier3A)
    %dma_start3A = arith.constant 0 : i32
    %dma_start3A_12 = arith.constant 0 : i32
    %dma_start3A_13 = arith.constant 0 : i32
    %dma_start3A_14 = arith.constant 0 : i32
    %dma_start3A_15 = tpu.memref_slice %arg6[%dma_start3A, %dma_start3A_13, %dma_start3A_14] : memref<2x128x64xi32, #tpu.memory_space<vmem>> -> memref<1x128x64xi32, #tpu.memory_space<vmem>>
    %dma_start3A_16 = tpu.memref_squeeze %dma_start3A_15 : memref<1x128x64xi32, #tpu.memory_space<vmem>> -> memref<128x64xi32, #tpu.memory_space<vmem>>
    %dma_start3A_17 = arith.constant 0 : i32
    %dma_start3A_18 = tpu.memref_slice %arg5[%dma_start3A_17] : memref<10240xi32, #tpu.memory_space<vmem>> -> memref<128xi32, #tpu.memory_space<vmem>>
    %dma_start3A_19 = arith.constant 0 : i32
    %dma_start3A_20 = arith.constant 0 : i32
    %dma_start3A_21 = tpu.memref_slice %arg8[%dma_start3A_19, %dma_start3A_20] : memref<10000x64xi32, #tpu.memory_space<vmem_shared>> -> memref<10000x64xi32, #tpu.memory_space<vmem_shared>>
    %dma_start3A_22 = tpu.memref_slice %arg9[%dma_start3A_12] : memref<2x!tpu.dma_semaphore, #tpu.memory_space<semaphore_mem>> -> memref<1x!tpu.dma_semaphore, #tpu.memory_space<semaphore_mem>>
    %dma_start3A_23 = tpu.memref_squeeze %dma_start3A_22 : memref<1x!tpu.dma_semaphore, #tpu.memory_space<semaphore_mem>> -> memref<!tpu.dma_semaphore, #tpu.memory_space<semaphore_mem>>
    tpu.enqueue_indirect_dma source(%dma_start3A_21 : memref<10000x64xi32, #tpu.memory_space<vmem_shared>>) target(%dma_start3A_16 : memref<128x64xi32, #tpu.memory_space<vmem>>) offsets(%dma_start3A_18 : memref<128xi32, #tpu.memory_space<vmem>>) semaphore(%dma_start3A_23 : memref<!tpu.dma_semaphore, #tpu.memory_space<semaphore_mem>>)
    %dma_start3A_24 = arith.constant 1 : i32
    %dma_start3A_25 = arith.constant 1 : i32
    %dma_start3A_26 = arith.constant 0 : i32
    %dma_start3A_27 = arith.constant 0 : i32
    %dma_start3A_28 = tpu.memref_slice %arg6[%dma_start3A_24, %dma_start3A_26, %dma_start3A_27] : memref<2x128x64xi32, #tpu.memory_space<vmem>> -> memref<1x128x64xi32, #tpu.memory_space<vmem>>
    %dma_start3A_29 = tpu.memref_squeeze %dma_start3A_28 : memref<1x128x64xi32, #tpu.memory_space<vmem>> -> memref<128x64xi32, #tpu.memory_space<vmem>>
    %dma_start3A_30 = arith.constant 128 : i32
    %dma_start3A_31 = tpu.memref_slice %arg5[%dma_start3A_30] : memref<10240xi32, #tpu.memory_space<vmem>> -> memref<128xi32, #tpu.memory_space<vmem>>
    %dma_start3A_32 = arith.constant 0 : i32
    %dma_start3A_33 = arith.constant 0 : i32
    %dma_start3A_34 = tpu.memref_slice %arg8[%dma_start3A_32, %dma_start3A_33] : memref<10000x64xi32, #tpu.memory_space<vmem_shared>> -> memref<10000x64xi32, #tpu.memory_space<vmem_shared>>
    %dma_start3A_35 = tpu.memref_slice %arg9[%dma_start3A_25] : memref<2x!tpu.dma_semaphore, #tpu.memory_space<semaphore_mem>> -> memref<1x!tpu.dma_semaphore, #tpu.memory_space<semaphore_mem>>
    %dma_start3A_36 = tpu.memref_squeeze %dma_start3A_35 : memref<1x!tpu.dma_semaphore, #tpu.memory_space<semaphore_mem>> -> memref<!tpu.dma_semaphore, #tpu.memory_space<semaphore_mem>>
    tpu.enqueue_indirect_dma source(%dma_start3A_34 : memref<10000x64xi32, #tpu.memory_space<vmem_shared>>) target(%dma_start3A_29 : memref<128x64xi32, #tpu.memory_space<vmem>>) offsets(%dma_start3A_31 : memref<128xi32, #tpu.memory_space<vmem>>) semaphore(%dma_start3A_36 : memref<!tpu.dma_semaphore, #tpu.memory_space<semaphore_mem>>)
    %scan3A = arith.constant 0 : i32
    %scan3A_37 = arith.constant 0 : i32
    %scan3A_38 = arith.constant 80 : i32
    %scan3A_39 = arith.addi %scan3A_37, %scan3A_38 : i32
    %scan3A_40 = arith.constant 1 : i32
    scf.for %scan3A_42 = %scan3A_37 to %scan3A_39 step %scan3A_40  : i32 {
      %rem3A = arith.constant 2 : i32
      %rem3A_43 = arith.remsi %scan3A_42, %rem3A : i32
      %mul3A_44 = arith.constant 128 : i32
      %mul3A_45 = arith.muli %scan3A_42, %mul3A_44 : i32
      %dma_wait3A = arith.constant 0 : i32
      %dma_wait3A_46 = arith.constant 0 : i32
      %dma_wait3A_47 = tpu.memref_slice %arg6[%rem3A_43, %dma_wait3A, %dma_wait3A_46] : memref<2x128x64xi32, #tpu.memory_space<vmem>> -> memref<1x128x64xi32, #tpu.memory_space<vmem>>
      %dma_wait3A_48 = tpu.memref_squeeze %dma_wait3A_47 : memref<1x128x64xi32, #tpu.memory_space<vmem>> -> memref<128x64xi32, #tpu.memory_space<vmem>>
      %dma_wait3A_49 = tpu.memref_slice %arg5[%mul3A_45] : memref<10240xi32, #tpu.memory_space<vmem>> -> memref<128xi32, #tpu.memory_space<vmem>>
      %dma_wait3A_50 = arith.constant 0 : i32
      %dma_wait3A_51 = arith.constant 0 : i32
      %dma_wait3A_52 = tpu.memref_slice %arg8[%dma_wait3A_50, %dma_wait3A_51] : memref<10000x64xi32, #tpu.memory_space<vmem_shared>> -> memref<10000x64xi32, #tpu.memory_space<vmem_shared>>
      %dma_wait3A_53 = tpu.memref_slice %arg9[%rem3A_43] : memref<2x!tpu.dma_semaphore, #tpu.memory_space<semaphore_mem>> -> memref<1x!tpu.dma_semaphore, #tpu.memory_space<semaphore_mem>>
      %dma_wait3A_54 = tpu.memref_squeeze %dma_wait3A_53 : memref<1x!tpu.dma_semaphore, #tpu.memory_space<semaphore_mem>> -> memref<!tpu.dma_semaphore, #tpu.memory_space<semaphore_mem>>
      tpu.wait_indirect_dma semaphore(%dma_wait3A_54 : memref<!tpu.dma_semaphore, #tpu.memory_space<semaphore_mem>>) src(%dma_wait3A_52 : memref<10000x64xi32, #tpu.memory_space<vmem_shared>>) dst(%dma_wait3A_48 : memref<128x64xi32, #tpu.memory_space<vmem>>)
      %add3A_55 = arith.constant 2 : i32
      %add3A_56 = arith.addi %scan3A_42, %add3A_55 : i32
      %lt3A_57 = arith.constant 80 : i32
      %lt3A_58 = arith.cmpi slt, %add3A_56, %lt3A_57 : i32
      %convert_element_type3A_59 = arith.extui %lt3A_58 : i1 to i32
      %cond3A_60 = arith.constant 0 : i32
      %cond3A_61 = arith.cmpi ne, %convert_element_type3A_59, %cond3A_60 : i32
      scf.if %cond3A_61 {
        %add3A_62 = arith.constant 2 : i32
        %add3A_63 = arith.addi %scan3A_42, %add3A_62 : i32
        %mul3A_64 = arith.constant 128 : i32
        %mul3A_65 = arith.muli %add3A_63, %mul3A_64 : i32
        %dma_start3A_66 = arith.constant 0 : i32
        %dma_start3A_67 = arith.constant 0 : i32
        %dma_start3A_68 = tpu.memref_slice %arg6[%rem3A_43, %dma_start3A_66, %dma_start3A_67] : memref<2x128x64xi32, #tpu.memory_space<vmem>> -> memref<1x128x64xi32, #tpu.memory_space<vmem>>
        %dma_start3A_69 = tpu.memref_squeeze %dma_start3A_68 : memref<1x128x64xi32, #tpu.memory_space<vmem>> -> memref<128x64xi32, #tpu.memory_space<vmem>>
        %dma_start3A_70 = tpu.memref_slice %arg5[%mul3A_65] : memref<10240xi32, #tpu.memory_space<vmem>> -> memref<128xi32, #tpu.memory_space<vmem>>
        %dma_start3A_71 = arith.constant 0 : i32
        %dma_start3A_72 = arith.constant 0 : i32
        %dma_start3A_73 = tpu.memref_slice %arg8[%dma_start3A_71, %dma_start3A_72] : memref<10000x64xi32, #tpu.memory_space<vmem_shared>> -> memref<10000x64xi32, #tpu.memory_space<vmem_shared>>
        %dma_start3A_74 = tpu.memref_slice %arg9[%rem3A_43] : memref<2x!tpu.dma_semaphore, #tpu.memory_space<semaphore_mem>> -> memref<1x!tpu.dma_semaphore, #tpu.memory_space<semaphore_mem>>
        %dma_start3A_75 = tpu.memref_squeeze %dma_start3A_74 : memref<1x!tpu.dma_semaphore, #tpu.memory_space<semaphore_mem>> -> memref<!tpu.dma_semaphore, #tpu.memory_space<semaphore_mem>>
        tpu.enqueue_indirect_dma source(%dma_start3A_73 : memref<10000x64xi32, #tpu.memory_space<vmem_shared>>) target(%dma_start3A_69 : memref<128x64xi32, #tpu.memory_space<vmem>>) offsets(%dma_start3A_70 : memref<128xi32, #tpu.memory_space<vmem>>) semaphore(%dma_start3A_75 : memref<!tpu.dma_semaphore, #tpu.memory_space<semaphore_mem>>)
      } else {
      }
    }
    %scan3A_41 = arith.constant 80 : i32
    "tpu.region"() ({
      %run_scoped3A = tpu.sem_alloc : memref<!tpu.dma_semaphore, #tpu.memory_space<semaphore_mem>>
      %dma_start3A_42 = arith.constant 0 : i32
      %dma_start3A_43 = tpu.memref_slice %arg4[%min3A_3, %dma_start3A_42] : memref<10000x128xf32, #tpu.memory_space<hbm>> -> memref<320x128xf32, #tpu.memory_space<hbm>>
      %dma_start3A_44 = arith.constant 0 : i32
      %dma_start3A_45 = tpu.memref_slice %arg4[%min3A_3, %dma_start3A_44] : memref<10000x128xf32, #tpu.memory_space<hbm>> -> memref<320x128xf32, #tpu.memory_space<hbm>>
      tpu.enqueue_dma source(%arg7 : memref<320x128xf32, #tpu.memory_space<vmem>>) target(%dma_start3A_45 : memref<320x128xf32, #tpu.memory_space<hbm>>) target_semaphore(%run_scoped3A : memref<!tpu.dma_semaphore, #tpu.memory_space<semaphore_mem>>)
      %dma_wait3A = arith.constant 0 : i32
      %dma_wait3A_46 = tpu.memref_slice %arg4[%min3A_3, %dma_wait3A] : memref<10000x128xf32, #tpu.memory_space<hbm>> -> memref<320x128xf32, #tpu.memory_space<hbm>>
      %dma_wait3A_47 = arith.constant 0 : i32
      %dma_wait3A_48 = tpu.memref_slice %arg4[%min3A_3, %dma_wait3A_47] : memref<10000x128xf32, #tpu.memory_space<hbm>> -> memref<320x128xf32, #tpu.memory_space<hbm>>
      tpu.wait_dma2 semaphore(%run_scoped3A : memref<!tpu.dma_semaphore, #tpu.memory_space<semaphore_mem>>) src(%arg7 : memref<320x128xf32, #tpu.memory_space<vmem>>) dst(%dma_wait3A_48 : memref<320x128xf32, #tpu.memory_space<hbm>>)
      tpu.yield
    }) : () -> ()
    return
  }
}

module attributes {stable_mosaic.version = 14 : i64} {
  func.func @body(%arg0: i32, %arg1: memref<2000x128xf32, #tpu.memory_space<vmem>>, %arg2: memref<128x128xf32, #tpu.memory_space<vmem>>, %arg3: memref<1x128xf32, #tpu.memory_space<vmem>>, %arg4: memref<2000x128xf32, #tpu.memory_space<vmem>>) attributes {dimension_semantics = [#tpu.dimension_semantics<arbitrary>], iteration_bounds = array<i64: 5>, scalar_prefetch = 0 : i64, scratch_operands = 0 : i64, tpu.core_type = #tpu.core_type<tc>, window_params = [{transform_indices = @transform_0, window_bounds = array<i64: 2000, 128>}, {pipeline_mode = #tpu.pipeline_mode<synchronous>, transform_indices = @transform_1, window_bounds = array<i64: 128, 128>}, {pipeline_mode = #tpu.pipeline_mode<synchronous>, transform_indices = @transform_2, window_bounds = array<i64: 1, 128>}, {transform_indices = @transform_3, window_bounds = array<i64: 2000, 128>}]} {
    %get3A = arith.constant 0 : index
    %get3A_0 = arith.constant 0 : index
    %get3A_1 = vector.load %arg1[%get3A, %get3A_0] : memref<2000x128xf32, #tpu.memory_space<vmem>>, vector<2000x128xf32>
    %get3A_2 = arith.constant 0 : index
    %get3A_3 = arith.constant 0 : index
    %get3A_4 = vector.load %arg2[%get3A_2, %get3A_3] : memref<128x128xf32, #tpu.memory_space<vmem>>, vector<128x128xf32>
    %dot_general3A = arith.constant dense<0.000000e+00> : vector<2000x128xf32>
    %dot_general3A_5 = tpu.matmul %get3A_1, %get3A_4, %dot_general3A {dimension_numbers = #tpu.dot_dimension_numbers<[1], [0], [0], [1], [0, 0, 1, 1], [], []>, transpose_lhs_hint = false} : vector<2000x128xf32>, vector<128x128xf32>, vector<2000x128xf32> -> vector<2000x128xf32>
    %mul3A = arith.constant 3.200000e+01 : f32
    %mul3A_6 = vector.broadcast %mul3A : f32 to vector<2000x128xf32>
    %mul3A_7 = arith.mulf %mul3A_6, %dot_general3A_5 : vector<2000x128xf32>
    %get3A_8 = arith.constant 0 : index
    %get3A_9 = arith.constant 0 : index
    %get3A_10 = vector.load %arg3[%get3A_8, %get3A_9] : memref<1x128xf32, #tpu.memory_space<vmem>>, vector<1x128xf32>
    %mul3A_11 = arith.constant 3.200000e+01 : f32
    %mul3A_12 = vector.broadcast %mul3A_11 : f32 to vector<1x128xf32>
    %mul3A_13 = arith.mulf %mul3A_12, %get3A_10 : vector<1x128xf32>
    %add3A = vector.broadcast %mul3A_13 : vector<1x128xf32> to vector<2000x128xf32>
    %add3A_14 = arith.addf %mul3A_7, %add3A : vector<2000x128xf32>
    %swap3A = arith.constant 0 : index
    %swap3A_15 = arith.constant 0 : index
    %swap3A_16 = vector.load %arg4[%swap3A, %swap3A_15] : memref<2000x128xf32, #tpu.memory_space<vmem>>, vector<2000x128xf32>
    tpu.vector_store %arg4[%swap3A, %swap3A_15], %add3A_14 {strides = array<i32>} : memref<2000x128xf32, #tpu.memory_space<vmem>>, vector<2000x128xf32>,
    return
  }
  func.func @transform_0(%arg0: i32) -> (i32, i32) {
    %c0_i32 = arith.constant 0 : i32
    %c0_i32_0 = arith.constant 0 : i32
    return %arg0, %c0_i32 : i32, i32
  }
  func.func @transform_1(%arg0: i32) -> (i32, i32) {
    %c0_i32 = arith.constant 0 : i32
    %c0_i32_0 = arith.constant 0 : i32
    %c0_i32_1 = arith.constant 0 : i32
    return %c0_i32, %c0_i32_0 : i32, i32
  }
  func.func @transform_2(%arg0: i32) -> (i32, i32) {
    %c0_i32 = arith.constant 0 : i32
    %c0_i32_0 = arith.constant 0 : i32
    %c0_i32_1 = arith.constant 0 : i32
    return %c0_i32, %c0_i32_0 : i32, i32
  }
  func.func @transform_3(%arg0: i32) -> (i32, i32) {
    %c0_i32 = arith.constant 0 : i32
    %c0_i32_0 = arith.constant 0 : i32
    return %arg0, %c0_i32 : i32, i32
  }
}

module attributes {stable_mosaic.version = 14 : i64} {
  func.func @body(%arg0: i32, %arg1: memref<2000x128xf32, #tpu.memory_space<vmem>>, %arg2: memref<2000x128xf32, #tpu.memory_space<vmem>>, %arg3: memref<128x128xf32, #tpu.memory_space<vmem>>, %arg4: memref<2000x128xf32, #tpu.memory_space<vmem>>) attributes {dimension_semantics = [#tpu.dimension_semantics<arbitrary>], iteration_bounds = array<i64: 5>, scalar_prefetch = 0 : i64, scratch_operands = 0 : i64, tpu.core_type = #tpu.core_type<tc>, window_params = [{transform_indices = @transform_0, window_bounds = array<i64: 2000, 128>}, {transform_indices = @transform_1, window_bounds = array<i64: 2000, 128>}, {pipeline_mode = #tpu.pipeline_mode<synchronous>, transform_indices = @transform_2, window_bounds = array<i64: 128, 128>}, {transform_indices = @transform_3, window_bounds = array<i64: 2000, 128>}]} {
    %get3A = arith.constant 0 : index
    %get3A_0 = arith.constant 0 : index
    %get3A_1 = vector.load %arg1[%get3A, %get3A_0] : memref<2000x128xf32, #tpu.memory_space<vmem>>, vector<2000x128xf32>
    %get3A_2 = arith.constant 0 : index
    %get3A_3 = arith.constant 0 : index
    %get3A_4 = vector.load %arg3[%get3A_2, %get3A_3] : memref<128x128xf32, #tpu.memory_space<vmem>>, vector<128x128xf32>
    %dot_general3A = arith.constant dense<0.000000e+00> : vector<2000x128xf32>
    %dot_general3A_5 = tpu.matmul %get3A_1, %get3A_4, %dot_general3A {dimension_numbers = #tpu.dot_dimension_numbers<[1], [0], [0], [1], [0, 0, 1, 1], [], []>, transpose_lhs_hint = false} : vector<2000x128xf32>, vector<128x128xf32>, vector<2000x128xf32> -> vector<2000x128xf32>
    %get3A_6 = arith.constant 0 : index
    %get3A_7 = arith.constant 0 : index
    %get3A_8 = vector.load %arg2[%get3A_6, %get3A_7] : memref<2000x128xf32, #tpu.memory_space<vmem>>, vector<2000x128xf32>
    %add3A = arith.addf %dot_general3A_5, %get3A_8 : vector<2000x128xf32>
    %swap3A = arith.constant 0 : index
    %swap3A_9 = arith.constant 0 : index
    %swap3A_10 = vector.load %arg4[%swap3A, %swap3A_9] : memref<2000x128xf32, #tpu.memory_space<vmem>>, vector<2000x128xf32>
    tpu.vector_store %arg4[%swap3A, %swap3A_9], %add3A {strides = array<i32>} : memref<2000x128xf32, #tpu.memory_space<vmem>>, vector<2000x128xf32>,
    return
  }
  func.func @transform_0(%arg0: i32) -> (i32, i32) {
    %c0_i32 = arith.constant 0 : i32
    %c0_i32_0 = arith.constant 0 : i32
    return %arg0, %c0_i32 : i32, i32
  }
  func.func @transform_1(%arg0: i32) -> (i32, i32) {
    %c0_i32 = arith.constant 0 : i32
    %c0_i32_0 = arith.constant 0 : i32
    return %arg0, %c0_i32 : i32, i32
  }
  func.func @transform_2(%arg0: i32) -> (i32, i32) {
    %c0_i32 = arith.constant 0 : i32
    %c0_i32_0 = arith.constant 0 : i32
    %c0_i32_1 = arith.constant 0 : i32
    return %c0_i32, %c0_i32_0 : i32, i32
  }
  func.func @transform_3(%arg0: i32) -> (i32, i32) {
    %c0_i32 = arith.constant 0 : i32
    %c0_i32_0 = arith.constant 0 : i32
    return %arg0, %c0_i32 : i32, i32
  }
}

</mosaic_0001>

<sc_bundles>
// kernel: kernel.5.cloned.1.call-start
scs
__scs_entry_jumppad:
0x0: {  	(pc) =	sbr.rel $0x88, $3  }
0x1: {  	(tag) =	ssettag $0x0;
	lr =	simm.s32 $0x1  }
0x2: {  	[smem:$0x3F9D] =	sst lr;
	_ =	strace $0xD0000000  }
0x3: {  	_ = 	snop  }
0x4: {  	_ = 	snop  }
0x5: {  	_ = 	snop  }
0x6: {  	_ = 	snop  }
0x7: {  	_ = 	snop  }
__scs_overlays_trampoline_lowered:
0x8: {  	[smem:$0x3FAC] =	sst s0  }
0x9: {  	[smem:$0x3FAD] =	sst s1  }
0xa: {  	[smem:$0x3FAE] =	sst s2  }
0xb: {  	[smem:$0x3FAF] =	sst s3  }
0xc: {  	[smem:$0x3FB0] =	sst s4  }
0xd: {  	[smem:$0x3FB1] =	sst s5  }
0xe: {  	[smem:$0x3FB2] =	sst s6  }
0xf: {  	[smem:$0x3FB3] =	sst s7  }
0x10: {  	[smem:$0x3FB4] =	sst s8  }
0x11: {  	[smem:$0x3FB5] =	sst s9;
	s0 =	simm.s32 @!p0 $0x0  }
0x12: {  	s1 =	sld [smem:$0x3F9B];
	s0 =	simm.s32 @p0 $0x1  }
0x13: {  	[smem:$0x3FB6] =	sst s0;
	s0 =	simm.s32 @!p1 $0x0  }
0x14: {  	s2 =	sld [smem:$0x3F9A];
	s0 =	simm.s32 @p1 $0x1  }
0x15: {  	[smem:$0x3FB7] =	sst s0;
	s0 =	simm.s32 @!p2 $0x0  }
0x16: {  	s3 =	sld [smem:$0x3FDB];
	s0 =	simm.s32 @p2 $0x1  }
0x17: {  	s4 =	simm.s32 $0x1BF5;
	[smem:$0x3FB9] =	sst s0  }
0x18: {  	s0 =	sld [smem:$0x3F9C];
	_ =	swait.ge [sflag:s4], $0x0  }
0x19: {  	s7 =	sld [smem:$0x3F9D]  }
0x1a: {  	s8 =	sadd.s32 $0xFFFFE003, lr  }
0x1b: {  	s9 =	sadd.s32 $0xFFFFFEF7, lr;
	s5 =	simm.s32 $0xFFFFFFFF;
	p2 =	slt.u32 s8, $0xFFFFF086  }
0x1c: {  	p1 =	slt.u32 s9, $0xF7A;
	s5 =	simm.s32 @!p2 $0x0  }
0x1d: {  	s5 =	simm.s32 @p1 $0x1;
	p0 =	seq.s32 s7, s2  }
0x1e: {  	s7 =	smul.u32 @!p0 $0xF7A, s2;
	p2 =	seq.s32 @!p0 s5, $0x0  }
0x1f: {  	s9 =	smul.u32 $0xF7A, s1;
	s8 =	simm.s32 @!p0 $0x1BF5;
	p2 =	por !p2, p0  }
0x20: {  	[sflag:s8] =	ssyncset.s32 @!p0 $0xFFFFF086;
	s6 =	sadd.s32 @!p0 s3, s7;
	s7 =	simm.s32 @!p0 $0x108  }
0x21: {  	s3 =	sadd.s32 s3, s9;
	s6 =	sadd.s32 @!p0 $0x88, s6;
	s7 =	simm.s32 @p2 $0x1082  }
0x22: {  	[simem:s7], [sflag:s8] =	dma.local @!p0 [hbm:s6], $0xF7A  }
0x23: {  	s9 =	sor.u32 $0xD0000000, s2;
	s6 =	simm.s32 $0x108;
	_ =	swait.ge @!p0 [sflag:s8], $0x0  }
0x24: {  	s3 =	sadd.s32 $0x88, s3;
	s6 =	simm.s32 @!p1 $0x1082;
	[sflag:s4] =	ssyncset.s32 $0xFFFFF086  }
0x25: {  	[simem:s6], [sflag:s4] =	dma.local [hbm:s3], $0xF7A  }
0x26: {  	[smem:$0x3F9D] =	sst s1;
	(tag) =	ssettag s2;
	_ =	strace s9  }
0x27: {  	s1 =	sld [smem:$0x3FAD]  }
0x28: {  	s2 =	sld [smem:$0x3FAE]  }
0x29: {  	s4 =	sld [smem:$0x3FB0]  }
0x2a: {  	p0 =	seq.s32 s5, $0x0;
	s5 =	sld [smem:$0x3FB1]  }
0x2b: {  	s6 =	sld [smem:$0x3FB2]  }
0x2c: {  	s7 =	sld [smem:$0x3FB3]  }
0x2d: {  	s3 =	simm.s32 $0x108;
	s8 =	sld [smem:$0x3FB4]  }
0x2e: {  	s3 =	simm.s32 @!p0 $0x1082;
	s9 =	sld [smem:$0x3FB5]  }
0x2f: {  	lr =	sadd.s32 s0, s3;
	s0 =	sld [smem:$0x3FAC]  }
0x30: {  	s3 =	sld [smem:$0x3FAF]  }
0x31: {  	[smem:$0x3FB8] =	sst s10  }
0x32: {  	s10 =	sld [smem:$0x3FB6];
	_ =	sdelay $0x3  }
0x33: {  	p0 =	seq.s32 s10, $0x1;
	s10 =	sld [smem:$0x3FB8];
	_ =	sdelay $0x3  }
0x34: {  	[smem:$0x3FB8] =	sst s10  }
0x35: {  	s10 =	sld [smem:$0x3FB7];
	_ =	sdelay $0x3  }
0x36: {  	p1 =	seq.s32 s10, $0x1;
	s10 =	sld [smem:$0x3FB8];
	_ =	sdelay $0x3  }
0x37: {  	[smem:$0x3FB8] =	sst s10  }
0x38: {  	s10 =	sld [smem:$0x3FB9]  }
0x39: {  	_ = 	snop;
	(pc) =	sbr.ind lr, $3  }
0x3a: {  	_ = 	snop  }
0x3b: {  	_ = 	snop  }
0x3c: {  	p2 =	seq.s32 s10, $0x1;
	s10 =	sld [smem:$0x3FB8]  }
0x3d: {  	_ =	shalt  }
0x3e: {  	_ =	shalt  }
0x3f: {  	_ =	shalt  }
0x40: {  	_ =	shalt  }
0x41: {  	_ =	shalt  }
0x42: {  	_ =	shalt  }
0x43: {  	_ =	shalt  }
0x44: {  	_ =	shalt  }
0x45: {  	_ =	shalt  }
0x46: {  	_ =	shalt  }
0x47: {  	_ =	shalt  }
0x48: {  	_ =	shalt  }
0x49: {  	_ =	shalt  }
0x4a: {  	_ =	shalt  }
0x4b: {  	_ =	shalt  }
0x4c: {  	_ =	shalt  }
0x4d: {  	_ =	shalt  }
0x4e: {  	_ =	shalt  }
0x4f: {  	_ =	shalt  }
0x50: {  	_ =	shalt  }
0x51: {  	_ =	shalt  }
0x52: {  	_ =	shalt  }
0x53: {  	_ =	shalt  }
0x54: {  	_ =	shalt  }
0x55: {  	_ =	shalt  }
0x56: {  	_ =	shalt  }
0x57: {  	_ =	shalt  }
0x58: {  	_ =	shalt  }
0x59: {  	_ =	shalt  }
0x5a: {  	_ =	shalt  }
0x5b: {  	_ =	shalt  }
0x5c: {  	_ =	shalt  }
0x5d: {  	_ =	shalt  }
0x5e: {  	_ =	shalt  }
0x5f: {  	_ =	shalt  }
0x60: {  	_ =	shalt  }
0x61: {  	_ =	shalt  }
0x62: {  	_ =	shalt  }
0x63: {  	_ =	shalt  }
0x64: {  	_ =	shalt  }
0x65: {  	_ =	shalt  }
0x66: {  	_ =	shalt  }
0x67: {  	_ =	shalt  }
0x68: {  	_ =	shalt  }
0x69: {  	_ =	shalt  }
0x6a: {  	_ =	shalt  }
0x6b: {  	_ =	shalt  }
0x6c: {  	_ =	shalt  }
0x6d: {  	_ =	shalt  }
0x6e: {  	_ =	shalt  }
0x6f: {  	_ =	shalt  }
0x70: {  	_ =	shalt  }
0x71: {  	_ =	shalt  }
0x72: {  	_ =	shalt  }
0x73: {  	_ =	shalt  }
0x74: {  	_ =	shalt  }
0x75: {  	_ =	shalt  }
0x76: {  	_ =	shalt  }
0x77: {  	_ =	shalt  }
0x78: {  	_ =	shalt  }
0x79: {  	_ =	shalt  }
0x7a: {  	_ =	shalt  }
0x7b: {  	_ =	shalt  }
0x7c: {  	_ =	shalt  }
0x7d: {  	_ =	shalt  }
0x7e: {  	_ =	shalt  }
0x7f: {  	_ =	shalt  }
0x80: {  	_ =	shalt  }
0x81: {  	_ =	shalt  }
0x82: {  	_ =	shalt  }
0x83: {  	_ =	shalt  }
0x84: {  	_ =	shalt  }
0x85: {  	_ =	shalt  }
0x86: {  	_ =	shalt  }
0x87: {  	_ =	shalt  }
.Lfunc_end0:
.L_simem_size_0:
called_computation_lowered:
.L_overlay_start_0:
0x88: {  	s2 =	sld [smem:$0x3FD9]  }
0x89: {  	s3 =	sld [smem:$0x3FFE];
	_ =	sdelay $0x1  }
0x8a: {  	s1 =	srdreg.scid  }
0x8b: {  	s0 =	sand.u32 $0x1, s1  }
0x8c: {  	s17 =	sshll.u32 s0, $0xA;
	s2 =	sadd.s32 s3, s2  }
0x8d: {  	s2 =	sadd.s32 s2, s17  }
0x8e: {  	[smem:$0x3FC4] =	sst s2  }
0x8f: {  	_ = 	snop  }
0x90: {  	s2 =	sld [smem:$0x3FD0];
	(tm) =	ssettm $0x1  }
0x91: {  	s18 =	sld [smem:$0x3FFB];
	_ =	sdelay $0x3  }
0x92: {  	_ =	strace s18  }
0x93: {  	s3 =	sld [smem:$0x3FFC];
	_ =	sdelay $0x3  }
0x94: {  	_ =	strace s3  }
0x95: {  	s3 =	sld [smem:$0x3FFD];
	_ =	sdelay $0x3  }
0x96: {  	_ =	strace s3  }
0x97: {  	_ =	strace $0x8FFFFFFF  }
0x98: {  	s19 =	sld [smem:$0x3FDB];
	_ =	sdelay $0x1  }
0x99: {  	s4 =	simm.s32 $_scs_section_size  }
0x9a: {  	s5 =	simm.s32 $_size__tile_overlayer_lowered;
	s6 =	simm.s32 $_tile_overlayer_lowered  }
0x9b: {  	s22 =	simm.s32 $0x1BFF;
	s21 =	sshll.u32 s6, $0x1;
	s3 =	sadd.s32 s4, s19  }
0x9c: {  	s7 =	simm.s32 $0x0;
	s20 =	sshll.u32 s5, $0x1;
	s5 =	sadd.s32 s21, s3  }
0x9d: {  	[timem:s7], [sflag:s22] =	dma.local [hbm:s5], s20  }
0x9e: {  	_ =	swait.ge [sflag:s22], s20  }
0x9f: {  	s4 =	ssub.s32 $0x0, s20;
	[sflag:s22] =	ssyncset.done $0x0  }
0xa0: {  	[sflag:s22] =	ssyncadd.s32 s4;
	_ =	sdelay $0x1  }
0xa1: {  	s23 =	simm.s32 $0x1B8B  }
0xa2: {  	_ =	swait.ge [sflag:s23], $0x1  }
0xa3: {  	[sflag:s23] =	ssyncset.done $0x0  }
0xa4: {  	s25 =	simm.s32 $0x1B8E;
	s24 =	sld [smem:$0x3FFE];
	[sflag:s23] =	ssyncadd.s32 $0xFFFFFFFF  }
0xa5: {  	s26 =	simm.s32 $execute0_lowered;
	[smem:$0x3FD2] =	sst s25  }
0xa6: {  	s5 =	sshll.u32 s26, $0x1;
	_ =	strace $0x80000046;
	[dreg:$0x1] =	wrdreg $0xFFFFFFFF  }
0xa7: {  	s28 =	simm.s32 $_size_execute0_lowered;
	s3 =	sadd.s32 s3, s5;
	[dreg:$0x0] =	wrdreg $0x0  }
0xa8: {  	s5 =	sshll.u32 s28, $0x1;
	[dreg:$0x2] =	wrdreg s3  }
0xa9: {  	[dreg:$0x3] =	wrdreg s5  }
0xaa: {  	[dreg:$0x4] =	wrdreg $0xC0  }
0xab: {  	_ =	task [dreg:s7], $0x5FFFF  }
0xac: {  	[dreg:$0x1] =	wrdreg $0xFFFFFFFF  }
0xad: {  	[dreg:$0x0] =	wrdreg $0x60  }
0xae: {  	[dreg:$0x2] =	wrdreg s24  }
0xaf: {  	[dreg:$0x3] =	wrdreg s2  }
0xb0: {  	[dreg:$0x4] =	wrdreg $0x108000  }
0xb1: {  	[dreg:$0x5] =	wrdreg $0x9  }
0xb2: {  	_ =	task.clear_ibuf [dreg:s7], $0x6FFFF;
	_ =	strace $0x90000046  }
0xb3: {  	s29 =	simm.s32 $0x9;
	_ =	strace $0x80000048  }
0xb4: {  	_ =	swait.ge [sflag:s29], $0x1  }
0xb5: {  	[sflag:s29] =	ssyncadd.s32 $0xFFFFFFFF  }
0xb6: {  	_ =	strace $0x90000048  }
0xb7: {  	_ =	sfence  }
0xb8: {  	s30 =	sld [smem:$0x0];
	_ =	sdelay $0x2  }
0xb9: {  	s31 =	sshll.u32 s1, $0xD;
	s1 =	sshrl.u32 s1, $0x2  }
0xba: {  	s3 =	sand.u32 $0x4000, s31;
	s1 =	sadd.s32 s1, s30  }
0xbb: {  	s0 =	sor.u32 s3, s0;
	s1 =	sshll.u32 s1, $0x11  }
0xbc: {  	s0 =	sor.u32 s1, s0  }
0xbd: {  	s0 =	sadd.s32 $0x8F2B, s0  }
0xbe: {  	[sflag:s0] =	ssyncadd.remote.s32 $0x1  }
0xbf: {  	_ =	sfence.sel $0xFFFF  }
0xc0: {  	[dreg:$0x0] =	wrdreg $0xFFFFFFFF;
	(pc) =	sbr.abs _section_cstart, $3  }
0xc1: {  	[dreg:$0x1] =	wrdreg $0xFFFFFFFF  }
0xc2: {  	_ =	task.clear_ibuf [dreg:s7], $0x2FFFF;
	_ =	strace $0x9FFFFFFF  }
0xc3: {  	(tm) =	ssettm $0x7FFFFFFF  }
tec
execute0_lowered:
.L_overlay_start_1:
0x0: {  	(tag) =	ssettag $0x1  }
0x1: {  	s5 =	rddreg [dreg:$0x0]  }
0x2: {  	s7 =	rddreg [dreg:$0x1];
	s0 =	srdreg.scid  }
0x3: {  	s2 =	rddreg [dreg:$0x2];
	s1 =	stileid.u32  }
0x4: {  	s3 =	simm.s32 $0x0;
	s14 =	simm.s32 $0x2800;
	s15 =	simm.s32 $0x4800  }
0x5: {  	s16 =	simm.s32 $0x6800;
	s4 =	sand.u32 $0x1, s0;
	s0 =	rddreg [dreg:$0x3]  }
0x6: {  	s17 =	simm.s32 $0x0;
	s8 =	smul.u32 $0x9C00, s1;
	[smem:$0x7FF] =	sst s3  }
0x7: {  	s13 =	sadd.s32 $0x92400, s2;
	p0 =	seq.s32 s1, $0xF;
	s6 =	sshll.u32 s4, $0x4  }
0x8: {  	_ =	strace $0x80000047;
	s4 =	ssub.s32 $0x2, s4;
	s6 =	sor.u32 s1, s6  }
0x9: {  	s9 =	sshrl.u32 s8, $0x3;
	s11 =	sshrl.u32 s4, $0x1;
	s6 =	smul.u32 $0x140, s6  }
0xa: {  	s12 =	sadd.s32 s8, s2;
	s29 =	sadd.s32 s9, s5;
	s11 =	ssub.s32 s4, s11  }
0xb: {  	s4 =	sadd.s32 $0x1400, s29;
	s8 =	smax.u32 s11, $0x1;
	s10 =	smin.u32 s6, $0x25D0  }
0xc: {  	s11 =	sshrl.u32 @!p0 s12, $0x3;
	s12 =	simm.s32 $0x3;
	s30 =	sshll.u32 s10, $0x2  }
0xd: {  	s31 =	sshll.u32 s10, $0x4;
	s10 =	sshll.u32 @!p0 s1, $0x6;
	s9 =	sadd.s32 s30, s5  }
0xe: {  	s5 =	sadd.s32 $0x13880, s5;
	s7 =	sadd.s32 s7, s31;
	s10 =	sor.u32 @!p0 $0x1C03, s10  }
0xf: {  	s6 =	sadd.s32 $0x14E00, s9;
	s9 =	sshrl.u32 @p0 s13, $0x3;
	s13 =	simm.s32 $0x80  }
.LBB2_1:
0x10: {  	s18 =	simm.s32 @p0 $0x1FC3  }
0x11: {  	[spmem:s9], [sflag:s18] =	dma.local @p0 [hbm:s5], $0x1400  }
0x12: {  	s18 =	simm.s32 @p0 $0x3  }
0x13: {  	_ =	swait.ge @p0 [sflag:s18], $0x1400  }
0x14: {  	[sflag:s18] =	ssyncset.done @p0 $0x0  }
0x15: {  	[sflag:s18] =	ssyncadd.s32 @p0 $0xFFFFEC00;
	s18 =	simm.s32 @!p0 $0x3  }
0x16: {  	[spmem:s11], [sflag:s10] =	dma.local @!p0 [hbm:s4], $0x1380  }
0x17: {  	_ =	swait.ge @!p0 [sflag:s18], $0x1380  }
0x18: {  	[sflag:s18] =	ssyncset.done @!p0 $0x0  }
0x19: {  	[sflag:s18] =	ssyncadd.s32 @!p0 $0xFFFFEC80  }
0x1a: {  	[tilespmem:s3], [sflag:$0x3] =	stream.linear.gather [hbm4b:s6+s3], $0x2800, $0x38;
	[tilespmem:$0x1A440] =	vst v63  }
0x1b: {  	_ =	swait.ge [sflag:s12], $0x2800  }
0x1c: {  	[sflag:s12] =	ssyncset.done $0x0  }
0x1d: {  	[sflag:s12] =	ssyncadd.s32 $0xFFFFD800  }
0x1e: {  	s21 =	sand.u32 $0x1, s3;
	[bflag:$0x0] =	sbarrier.arrive $0xFFFF  }
0x1f: {  	[tilespmem:s14], [sflag:$0x1] =	stream.indirect.gather [spmem:s2], $0x40, s3, s13, $0xb8;
	[tilespmem:$0x1A440] =	vst v63  }
0x20: {  	p1 =	por $0x0, $0x0;
	s20 =	sadd.s32 $0x1, s21  }
0x21: {  	[tilespmem:s15], [sflag:$0x2] =	stream.indirect.gather [spmem:s2], $0x40, s13, s13, $0xb8;
	[tilespmem:$0x1A440] =	vst v63  }
0x22: {  	s19 =	simm.s32 $0x1;
	s22 =	sshll.u32 @!p1 s21, $0xD;
	_ =	swait.ge [sflag:s20], $0x2000  }
0x23: {  	s21 =	simm.s32 $0x180;
	s23 =	simm.s32 @!p1 $0x80;
	[sflag:s20] =	ssyncset.done $0x0  }
0x24: {  	s22 =	sadd.s32 @!p1 $0x2800, s22;
	s18 =	simm.s32 $0x100;
	[sflag:s20] =	ssyncadd.s32 $0xFFFFE000  }
.LBB2_2:
0x25: {  	[tilespmem:s22], [sflag:s20] =	stream.indirect.gather @!p1 [spmem:s2], $0x40, s18, s23, $0xb8;
	[tilespmem:$0x1A440] =	vst v63  }
0x26: {  	s22 =	smov.u32 s19;
	s19 =	sadd.s32 $0x1, s19  }
0x27: {  	s18 =	smov.u32 s21;
	p2 =	sne.s32 s19, $0x50  }
.Ltmp0:
0x28: {  	s23 =	sand.u32 $0x1, s22;
	(pc) =	sbr.rel @p2 .LBB2_2-.Ltmp0, $4  }
0x29: {  	s20 =	sadd.s32 $0x1, s23  }
0x2a: {  	p1 =	sgt.u32 s22, $0x4D;
	_ =	swait.ge [sflag:s20], $0x2000  }
0x2b: {  	s21 =	sadd.s32 $0x80, s21;
	s22 =	sshll.u32 @!p1 s23, $0xD;
	[sflag:s20] =	ssyncset.done $0x0  }
0x2c: {  	s23 =	simm.s32 @!p1 $0x80;
	s22 =	sadd.s32 @!p1 $0x2800, s22;
	[sflag:s20] =	ssyncadd.s32 $0xFFFFE000  }
0x2d: {  	[tilespmem:s22], [sflag:s20] =	stream.indirect.gather @!p1 [spmem:s2], $0x40, s18, s23, $0xb8;
	[tilespmem:$0x1A440] =	vst v63  }
0x2e: {  	s17 =	sadd.s32 $0x1, s17  }
0x2f: {  	p1 =	sne.s32 s17, s8  }
.Ltmp1:
0x30: {  	_ = 	snop;
	(pc) =	sbr.rel @p1 .LBB2_1-.Ltmp1, $4  }
0x31: {  	[hbm4b:s7+s3] =	stream.linear.scatter [tilespmem:s16], [sflag:$0x3], $0xA000, $0x38;
	[tilespmem:$0x1A440] =	vst v63  }
0x32: {  	_ =	swait.ge [sflag:s12], $0xA000  }
0x33: {  	[sflag:s12] =	ssyncset.done $0x0  }
0x34: {  	[sflag:s12] =	ssyncadd.s32 $0xFFFF6000  }
0x35: {  	_ =	sfence.sel $0x180000  }
0x36: {  	[bflag:$0x0] =	sbarrier.arrive $0xFFFF  }
0x37: {  	p0 =	sne.s32 s1, $0x0;
	_ =	strace $0x90000047  }
0x38: {  	s0 =	sadd.s32 @!p0 $0x100000, s0;
	[bflag:$0x2] =	sbarrier.arrive $0xFFFF  }
0x39: {  	[sflag:s0] =	ssyncadd.tile.s32 @!p0 $0x1;
	_ =	shalt  }
.Lfunc_end2:
_tile_overlayer_lowered:
.L_overlay_start_2:
0x3a: {  	(tag) =	ssettag $0x2  }
0x3b: {  	s0 =	rddreg [dreg:$0x0];
	s2 =	stileid.u32  }
0x3c: {  	s1 =	rddreg [dreg:$0x1];
	p0 =	sne.s32 s2, $0x0  }
0x3d: {  	s3 =	rddreg [dreg:$0x2];
	[bflag:$0x3] =	sbarrier.arrive $0xFFFF;
	s2 =	simm.s32 @!p0 $0x1C03  }
0x3e: {  	[timem:s3], [sflag:s2] =	dma.local @!p0 [hbm:s0], s1  }
0x3f: {  	s0 =	simm.s32 @!p0 $0x3  }
0x40: {  	_ =	swait.ge @!p0 [sflag:s0], s1  }
0x41: {  	s1 =	ssub.s32 @!p0 $0x0, s1;
	[sflag:s0] =	ssyncset.done @!p0 $0x0  }
0x42: {  	[sflag:s0] =	ssyncadd.s32 @!p0 s1  }
0x43: {  	[bflag:$0x3] =	sbarrier.arrive $0xFFFF  }
0x44: {  	_ =	shalt  }

</sc_bundles>
